<compile_context>
chip_gen: v7x
topology: tpu7x:2x2x1
jax: 0.10.2.dev20260603
libtpu: 0.0.44.dev20260713+nightly
codegen_flags: <defaults>
</compile_context>

<pallas_src>
import dataclasses

import jax
import jax.numpy as jnp
from jax import lax
from jax.experimental import pallas as pl
from jax.experimental.pallas import tpu as pltpu
from jax.experimental.pallas import tpu_sc as plsc

N_NODES = 10000
D = 128
N_EDGES = 320000

NC = 2
NS = 16
NW = NC * NS

EDGE_BATCH = 64
E_PAD = 327680
ROWS_PER_W = E_PAD // (NW * EDGE_BATCH)
N_PAD = 10240
ROWS_PER_SUB = N_PAD // NS
PAD_DST = 10008
G_ROWS = 8
R_CORE0 = 296
R_CORE1 = 24

_vector_mesh = plsc.VectorSubcoreMesh(core_axis_name="c", subcore_axis_name="s")

_sc_params = pltpu.CompilerParams()
if "needs_layout_passes" in pltpu.CompilerParams.__dataclass_fields__:
    _sc_params = dataclasses.replace(_sc_params, needs_layout_passes=False)



def _hist_body(dst_hbm, histp_hbm, dst_v, hist_v):
    c = lax.axis_index("c")
    s = lax.axis_index("s")
    wid = s * NC + c

    zeros16 = jnp.zeros((16,), jnp.float32)
    ones16 = jnp.ones((16,), jnp.float32)

    @pl.loop(0, N_PAD // 16)
    def _(i):
        hist_v[pl.ds(i * 16, 16)] = zeros16

    pltpu.sync_copy(dst_hbm.at[pl.ds(wid * ROWS_PER_W, ROWS_PER_W)], dst_v)

    @pl.loop(0, ROWS_PER_W)
    def _(j):
        @pl.loop(0, EDGE_BATCH // 16)
        def _(k):
            idx = dst_v[j, pl.ds(k * 16, 16)]
            plsc.addupdate_scatter(hist_v, [idx], ones16)

    pltpu.sync_copy(hist_v, histp_hbm.at[wid])


@jax.jit
def _sc_hist(dst2d):
    kern = pl.kernel(
        _hist_body,
        out_type=jax.ShapeDtypeStruct((NW, N_PAD), jnp.float32),
        mesh=_vector_mesh,
        scratch_types=[
            pltpu.VMEM((ROWS_PER_W, EDGE_BATCH), jnp.int32),
            pltpu.VMEM((N_PAD,), jnp.float32),
        ],
        compiler_params=_sc_params,
    )
    return kern(dst2d)



BLK = 1024
GRID = 10


def _in_deg_bcast(hist):
    ones_w = jnp.ones((NW, D), jnp.float32)
    return lax.dot_general(hist, ones_w, (((0,), (0,)), ((), ())),
                           preferred_element_type=jnp.float32,
                           precision=lax.Precision.HIGHEST)


def _pre_body(hist_ref, x_ref, xs_ref):
    in_deg = _in_deg_bcast(hist_ref[...])
    rs = lax.rsqrt(jnp.maximum(in_deg, 1.0))
    xs_ref[...] = rs * x_ref[...]


@jax.jit
def _tc_pre(histp, x):
    return pl.pallas_call(
        _pre_body,
        grid=(GRID,),
        in_specs=[
            pl.BlockSpec((NW, BLK), lambda i: (0, i)),
            pl.BlockSpec((BLK, D), lambda i: (i, 0)),
        ],
        out_specs=pl.BlockSpec((BLK, D), lambda i: (i, 0)),
        out_shape=jax.ShapeDtypeStruct((N_NODES, D), jnp.float32),
    )(histp, x)



def _agg_body(xs_hbm, src_hbm, dst_hbm, zeros_hbm, accp_hbm,
              src_v, dst_v, rows_v, acc_sh,
              gsem0, gsem1, gsem2, gsem3, ssem0, ssem1, ssem2, ssem3):
    c = lax.axis_index("c")
    s = lax.axis_index("s")
    my_rows = jnp.where(c == 0, R_CORE0, R_CORE1)
    row0 = c * (NS * R_CORE0) + s * my_rows
    my_groups = my_rows // G_ROWS

    pltpu.sync_copy(zeros_hbm, acc_sh.at[pl.ds(s * ROWS_PER_SUB, ROWS_PER_SUB)])
    plsc.subcore_barrier()

    gsem = (gsem0, gsem1, gsem2, gsem3)
    ssem = (ssem0, ssem1, ssem2, ssem3)

    def start_gather(b, j):
        pltpu.async_copy(xs_hbm.at[src_v.at[j]], rows_v.at[b], gsem[b])

    def wait_gather(b):
        pltpu.make_async_copy(xs_hbm.at[src_v.at[0]], rows_v.at[b],
                              gsem[b]).wait()

    def start_scatter(b, j):
        pltpu.async_copy(rows_v.at[b], acc_sh.at[dst_v.at[j]], ssem[b],
                         add=True)

    def wait_scatter(b):
        pltpu.make_async_copy(rows_v.at[b], acc_sh.at[dst_v.at[0]],
                              ssem[b]).wait()

    @pl.loop(0, my_groups)
    def _(g):
        base = row0 + g * G_ROWS
        pltpu.sync_copy(src_hbm.at[pl.ds(base, G_ROWS)], src_v)
        pltpu.sync_copy(dst_hbm.at[pl.ds(base, G_ROWS)], dst_v)
        start_gather(0, 0)
        start_gather(1, 1)

        @pl.loop(0, G_ROWS // 4)
        def _(it):
            j0 = it * 4
            for b in range(4):
                j = j0 + b
                wait_gather(b)
                start_scatter(b, j)
                bpf = (b + 2) % 4
                pf = j + 2

                @pl.when(pf < G_ROWS)
                def _():
                    @pl.when(pf >= 4)
                    def _():
                        wait_scatter(bpf)

                    start_gather(bpf, pf)

        for b in range(4):
            wait_scatter(b)

    plsc.subcore_barrier()
    pltpu.sync_copy(acc_sh.at[pl.ds(s * ROWS_PER_SUB, ROWS_PER_SUB)],
                    accp_hbm.at[c, pl.ds(s * ROWS_PER_SUB, ROWS_PER_SUB)])


@jax.jit
def _sc_agg(xs, src2d, dst2d, zeros_blk):
    kern = pl.kernel(
        _agg_body,
        out_type=jax.ShapeDtypeStruct((NC, N_PAD, D), jnp.float32),
        mesh=_vector_mesh,
        scratch_types=[
            pltpu.VMEM((G_ROWS, EDGE_BATCH), jnp.int32),
            pltpu.VMEM((G_ROWS, EDGE_BATCH), jnp.int32),
            pltpu.VMEM((4, EDGE_BATCH, D), jnp.float32),
            pltpu.VMEM_SHARED((N_PAD, D), jnp.float32),
            pltpu.SemaphoreType.DMA,
            pltpu.SemaphoreType.DMA,
            pltpu.SemaphoreType.DMA,
            pltpu.SemaphoreType.DMA,
            pltpu.SemaphoreType.DMA,
            pltpu.SemaphoreType.DMA,
            pltpu.SemaphoreType.DMA,
            pltpu.SemaphoreType.DMA,
        ],
    )
    return kern(xs, src2d, dst2d, zeros_blk)



def _post_body(accp_ref, hist_ref, x_ref, wt_ref, b_ref, out_ref):
    in_deg = _in_deg_bcast(hist_ref[...])
    rs = lax.rsqrt(jnp.maximum(in_deg, 1.0))
    acc = accp_ref[0] + accp_ref[1]
    x = x_ref[...]
    msum = rs * acc
    inv = 1.0 / (in_deg + 1.0)
    h = jnp.where(in_deg > 0.0, (msum + x) * inv, x)
    y = jnp.dot(h, wt_ref[...], preferred_element_type=jnp.float32,
                precision=lax.Precision.HIGHEST)
    out_ref[...] = jnp.maximum(y + b_ref[...], 0.0)


@jax.jit
def _tc_post(accp, histp, x, wt, b2d):
    return pl.pallas_call(
        _post_body,
        grid=(GRID,),
        in_specs=[
            pl.BlockSpec((NC, BLK, D), lambda i: (0, i, 0)),
            pl.BlockSpec((NW, BLK), lambda i: (0, i)),
            pl.BlockSpec((BLK, D), lambda i: (i, 0)),
            pl.BlockSpec((D, D), lambda i: (0, 0)),
            pl.BlockSpec((1, D), lambda i: (0, 0)),
        ],
        out_specs=pl.BlockSpec((BLK, D), lambda i: (i, 0)),
        out_shape=jax.ShapeDtypeStruct((N_NODES, D), jnp.float32),
    )(accp, histp, x, wt, b2d)



@jax.jit
def kernel(features, edge_index, W, b):
    src = edge_index[0].astype(jnp.int32)
    dst = edge_index[1].astype(jnp.int32)
    n_pad_edges = E_PAD - N_EDGES
    src2d = jnp.concatenate(
        [src, jnp.zeros((n_pad_edges,), jnp.int32)]).reshape(-1, EDGE_BATCH)
    dst2d = jnp.concatenate(
        [dst, jnp.full((n_pad_edges,), PAD_DST, jnp.int32)]).reshape(-1, EDGE_BATCH)

    histp = _sc_hist(dst2d)
    xs = _tc_pre(histp, features)
    zeros_blk = jnp.zeros((ROWS_PER_SUB, D), jnp.float32)
    accp = _sc_agg(xs, src2d, dst2d, zeros_blk)
    return _tc_post(accp, histp, features, W.T, b[None, :])

# --- scband reference (transcript-rebuilt; emitter-appended) ---
"""Pipeline reference for scband-gcn-61770219651721 (READ-ONLY COPY).

The authoritative reference and input builder live on the scoring server;
editing this copy changes nothing except your own understanding.
"""

import jax, jax.numpy as jnp
import numpy as np

N_NODES = 10000
N_EDGES = 320000
D_IN = 128
D_OUT = 128

def setup_inputs(seed: int = 0) -> dict:
    key = jax.random.key(seed)
    k1, k2, k3, k4 = jax.random.split(key, 4)
    features = jax.random.normal(k1, (N_NODES, D_IN), dtype=jnp.float32)
    edge_index = jax.random.randint(k2, (2, N_EDGES), 0, N_NODES, dtype=jnp.int64)
    # Linear layer params (PyTorch default init: uniform(-1/sqrt(fan_in), 1/sqrt(fan_in)))
    bound = 1.0 / np.sqrt(D_IN)
    W = jax.random.uniform(k3, (D_OUT, D_IN), dtype=jnp.float32, minval=-bound, maxval=bound)
    b = jax.random.uniform(k4, (D_OUT,), dtype=jnp.float32, minval=-bound, maxval=bound)
    return {"features": features, "edge_index": edge_index, "W": W, "b": b}

def reference(features, edge_index, W, b):
    # DGL-style GCN layer:
    #   ndata['deg'] assumed to be in-degrees (standard DGL usage)
    #   message: m = (1/(sqrt(deg_src)*sqrt(deg_dst))) * h_src
    #   reduce : h = mean(concat(mailbox m, own h)) = (sum_m + h) / (n_msgs + 1)
    #            (only applied to nodes with >=1 incoming message, as in DGL update_all)
    #   apply  : h = relu(Linear(h))
    src = edge_index[0]
    dst = edge_index[1]
    N = features.shape[0]
    in_deg = jnp.zeros((N,), dtype=jnp.float32).at[dst].add(1.0)
    deg = jnp.maximum(in_deg, 1.0)  # avoid div-by-zero for isolated src nodes
    coef = 1.0 / (jnp.sqrt(deg[src]) * jnp.sqrt(deg[dst]))
    m = coef[:, None] * features[src]
    msum = jnp.zeros_like(features).at[dst].add(m)
    has_msg = (in_deg > 0)[:, None]
    h = jnp.where(has_msg, (msum + features) / (in_deg[:, None] + 1.0), features)
    h = jnp.maximum(h @ W.T + b, 0.0)
    return h

if __name__ == "__main__":
    import jax
    _d = setup_inputs()
    print(jax.jit(kernel)(*tuple(_d.values())))

</pallas_src>

<mosaic_0001>
#map = affine_map<(d0, d1) -> (0, 0)>
module attributes {stable_mosaic.version = 14 : i64} {
  func.func @_hist_body(%arg0: i32, %arg1: i32, %arg2: memref<5120x64xi32, #tpu.memory_space<hbm>>, %arg3: memref<32x10240xf32, #tpu.memory_space<hbm>>, %arg4: memref<160x64xi32, #tpu.memory_space<vmem>>, %arg5: memref<10240xf32, #tpu.memory_space<vmem>>) attributes {dimension_semantics = [#tpu.dimension_semantics<core_parallel>, #tpu.dimension_semantics<subcore_parallel>], iteration_bounds = array<i64: 2, 16>, scalar_prefetch = 0 : i64, scratch_operands = 2 : i64, tpu.core_type = #tpu.core_type<sc_vector_subcore>, window_params = [{transform_indices = #map}, {transform_indices = #map}]} {
    %mul3A = arith.constant 2 : i32
    %mul3A_0 = arith.muli %arg1, %mul3A : i32
    %add3A = arith.addi %mul3A_0, %arg0 : i32
    %broadcast_in_dim3A = arith.constant 0.000000e+00 : f32
    %broadcast_in_dim3A_1 = vector.broadcast %broadcast_in_dim3A : f32 to vector<16xf32>
    %broadcast_in_dim3A_2 = arith.constant 1.000000e+00 : f32
    %broadcast_in_dim3A_3 = vector.broadcast %broadcast_in_dim3A_2 : f32 to vector<16xf32>
    %scan3A = arith.constant 0 : i32
    %scan3A_4 = arith.constant 640 : i32
    %scan3A_5 = arith.addi %scan3A, %scan3A_4 : i32
    %scan3A_6 = arith.constant 1 : i32
    scf.for %scan3A_15 = %scan3A to %scan3A_5 step %scan3A_6  : i32 {
      %mul3A_16 = arith.constant 1 : i32
      %mul3A_17 = arith.muli %scan3A_15, %mul3A_16 : i32
      %add3A_18 = arith.constant 0 : i32
      %add3A_19 = arith.addi %add3A_18, %mul3A_17 : i32
      %mul3A_20 = arith.constant 16 : i32
      %mul3A_21 = arith.muli %add3A_19, %mul3A_20 : i32
      %swap3A = arith.index_cast %mul3A_21 : i32 to index
      %swap3A_22 = tpu.vector_load %arg5[%swap3A] {strides = array<i32>} : memref<10240xf32, #tpu.memory_space<vmem>>, vector<16xf32>,
      tpu.vector_store %arg5[%swap3A], %broadcast_in_dim3A_1 {strides = array<i32>} : memref<10240xf32, #tpu.memory_space<vmem>>, vector<16xf32>,
    }
    %scan3A_7 = arith.constant 640 : i32
    %mul3A_8 = arith.constant 160 : i32
    %mul3A_9 = arith.muli %add3A, %mul3A_8 : i32
    "tpu.region"() ({
      %run_scoped3A = tpu.sem_alloc : memref<!tpu.dma_semaphore, #tpu.memory_space<semaphore_mem>>
      %dma_start3A = arith.constant 0 : i32
      %dma_start3A_15 = tpu.memref_slice %arg2[%mul3A_9, %dma_start3A] : memref<5120x64xi32, #tpu.memory_space<hbm>> -> memref<160x64xi32, #tpu.memory_space<hbm>>
      %dma_start3A_16 = arith.constant 0 : i32
      %dma_start3A_17 = tpu.memref_slice %arg2[%mul3A_9, %dma_start3A_16] : memref<5120x64xi32, #tpu.memory_space<hbm>> -> memref<160x64xi32, #tpu.memory_space<hbm>>
      tpu.enqueue_dma source(%dma_start3A_17 : memref<160x64xi32, #tpu.memory_space<hbm>>) target(%arg4 : memref<160x64xi32, #tpu.memory_space<vmem>>) target_semaphore(%run_scoped3A : memref<!tpu.dma_semaphore, #tpu.memory_space<semaphore_mem>>)
      %dma_wait3A = arith.constant 0 : i32
      %dma_wait3A_18 = tpu.memref_slice %arg2[%mul3A_9, %dma_wait3A] : memref<5120x64xi32, #tpu.memory_space<hbm>> -> memref<160x64xi32, #tpu.memory_space<hbm>>
      %dma_wait3A_19 = arith.constant 0 : i32
      %dma_wait3A_20 = tpu.memref_slice %arg2[%mul3A_9, %dma_wait3A_19] : memref<5120x64xi32, #tpu.memory_space<hbm>> -> memref<160x64xi32, #tpu.memory_space<hbm>>
      tpu.wait_dma2 semaphore(%run_scoped3A : memref<!tpu.dma_semaphore, #tpu.memory_space<semaphore_mem>>) src(%dma_wait3A_20 : memref<160x64xi32, #tpu.memory_space<hbm>>) dst(%arg4 : memref<160x64xi32, #tpu.memory_space<vmem>>)
      tpu.yield
    }) : () -> ()
    %scan3A_10 = arith.constant 0 : i32
    %scan3A_11 = arith.constant 160 : i32
    %scan3A_12 = arith.addi %scan3A_10, %scan3A_11 : i32
    %scan3A_13 = arith.constant 1 : i32
    scf.for %scan3A_15 = %scan3A_10 to %scan3A_12 step %scan3A_13  : i32 {
      %mul3A_16 = arith.constant 1 : i32
      %mul3A_17 = arith.muli %scan3A_15, %mul3A_16 : i32
      %add3A_18 = arith.constant 0 : i32
      %add3A_19 = arith.addi %add3A_18, %mul3A_17 : i32
      %scan3A_20 = arith.constant 0 : i32
      %scan3A_21 = arith.constant 4 : i32
      %scan3A_22 = arith.addi %scan3A_20, %scan3A_21 : i32
      %scan3A_23 = arith.constant 1 : i32
      scf.for %scan3A_25 = %scan3A_20 to %scan3A_22 step %scan3A_23  : i32 {
        %mul3A_26 = arith.constant 1 : i32
        %mul3A_27 = arith.muli %scan3A_25, %mul3A_26 : i32
        %add3A_28 = arith.constant 0 : i32
        %add3A_29 = arith.addi %add3A_28, %mul3A_27 : i32
        %mul3A_30 = arith.constant 16 : i32
        %mul3A_31 = arith.muli %add3A_29, %mul3A_30 : i32
        %get3A = arith.index_cast %add3A_19 : i32 to index
        %get3A_32 = arith.index_cast %mul3A_31 : i32 to index
        %get3A_33 = tpu.vector_load %arg4[%get3A, %get3A_32] {strides = array<i32>} : memref<160x64xi32, #tpu.memory_space<vmem>>, vector<16xi32>,
        tpu.vector_store_idx %arg5[%get3A_33], %broadcast_in_dim3A_3 {add = true} : memref<10240xf32, #tpu.memory_space<vmem>>[vector<16xi32>], vector<16xf32>,
      }
      %scan3A_24 = arith.constant 4 : i32
    }
    %scan3A_14 = arith.constant 160 : i32
    "tpu.region"() ({
      %run_scoped3A = tpu.sem_alloc : memref<!tpu.dma_semaphore, #tpu.memory_space<semaphore_mem>>
      %dma_start3A = arith.constant 0 : i32
      %dma_start3A_15 = tpu.memref_slice %arg3[%add3A, %dma_start3A] : memref<32x10240xf32, #tpu.memory_space<hbm>> -> memref<1x10240xf32, #tpu.memory_space<hbm>>
      %dma_start3A_16 = tpu.memref_squeeze %dma_start3A_15 : memref<1x10240xf32, #tpu.memory_space<hbm>> -> memref<10240xf32, #tpu.memory_space<hbm>>
      %dma_start3A_17 = arith.constant 0 : i32
      %dma_start3A_18 = tpu.memref_slice %arg3[%add3A, %dma_start3A_17] : memref<32x10240xf32, #tpu.memory_space<hbm>> -> memref<1x10240xf32, #tpu.memory_space<hbm>>
      %dma_start3A_19 = tpu.memref_squeeze %dma_start3A_18 : memref<1x10240xf32, #tpu.memory_space<hbm>> -> memref<10240xf32, #tpu.memory_space<hbm>>
      tpu.enqueue_dma source(%arg5 : memref<10240xf32, #tpu.memory_space<vmem>>) target(%dma_start3A_19 : memref<10240xf32, #tpu.memory_space<hbm>>) target_semaphore(%run_scoped3A : memref<!tpu.dma_semaphore, #tpu.memory_space<semaphore_mem>>)
      %dma_wait3A = arith.constant 0 : i32
      %dma_wait3A_20 = tpu.memref_slice %arg3[%add3A, %dma_wait3A] : memref<32x10240xf32, #tpu.memory_space<hbm>> -> memref<1x10240xf32, #tpu.memory_space<hbm>>
      %dma_wait3A_21 = tpu.memref_squeeze %dma_wait3A_20 : memref<1x10240xf32, #tpu.memory_space<hbm>> -> memref<10240xf32, #tpu.memory_space<hbm>>
      %dma_wait3A_22 = arith.constant 0 : i32
      %dma_wait3A_23 = tpu.memref_slice %arg3[%add3A, %dma_wait3A_22] : memref<32x10240xf32, #tpu.memory_space<hbm>> -> memref<1x10240xf32, #tpu.memory_space<hbm>>
      %dma_wait3A_24 = tpu.memref_squeeze %dma_wait3A_23 : memref<1x10240xf32, #tpu.memory_space<hbm>> -> memref<10240xf32, #tpu.memory_space<hbm>>
      tpu.wait_dma2 semaphore(%run_scoped3A : memref<!tpu.dma_semaphore, #tpu.memory_space<semaphore_mem>>) src(%arg5 : memref<10240xf32, #tpu.memory_space<vmem>>) dst(%dma_wait3A_24 : memref<10240xf32, #tpu.memory_space<hbm>>)
      tpu.yield
    }) : () -> ()
    return
  }
}

</mosaic_0001>

<sc_bundles>
// kernel: _sc_hist.3.cloned.1.call-start
scs
__scs_entry_jumppad:
0x0: {  	(pc) =	sbr.rel $0x88, $3  }
0x1: {  	(tag) =	ssettag $0x0;
	lr =	simm.s32 $0x1  }
0x2: {  	[smem:$0x3FA0] =	sst lr;
	_ =	strace $0xD0000000  }
0x3: {  	_ = 	snop  }
0x4: {  	_ = 	snop  }
0x5: {  	_ = 	snop  }
0x6: {  	_ = 	snop  }
0x7: {  	_ = 	snop  }
__scs_overlays_trampoline_lowered:
0x8: {  	[smem:$0x3FAF] =	sst s0  }
0x9: {  	[smem:$0x3FB0] =	sst s1  }
0xa: {  	[smem:$0x3FB1] =	sst s2  }
0xb: {  	[smem:$0x3FB2] =	sst s3  }
0xc: {  	[smem:$0x3FB3] =	sst s4  }
0xd: {  	[smem:$0x3FB4] =	sst s5  }
0xe: {  	[smem:$0x3FB5] =	sst s6  }
0xf: {  	[smem:$0x3FB6] =	sst s7  }
0x10: {  	[smem:$0x3FB7] =	sst s8  }
0x11: {  	[smem:$0x3FB8] =	sst s9;
	s0 =	simm.s32 @!p0 $0x0  }
0x12: {  	s1 =	sld [smem:$0x3F9E];
	s0 =	simm.s32 @p0 $0x1  }
0x13: {  	[smem:$0x3FB9] =	sst s0;
	s0 =	simm.s32 @!p1 $0x0  }
0x14: {  	s2 =	sld [smem:$0x3F9D];
	s0 =	simm.s32 @p1 $0x1  }
0x15: {  	[smem:$0x3FBA] =	sst s0;
	s0 =	simm.s32 @!p2 $0x0  }
0x16: {  	s3 =	sld [smem:$0x3FDB];
	s0 =	simm.s32 @p2 $0x1  }
0x17: {  	s4 =	simm.s32 $0x1BF5;
	[smem:$0x3FBC] =	sst s0  }
0x18: {  	s0 =	sld [smem:$0x3F9F];
	_ =	swait.ge [sflag:s4], $0x0  }
0x19: {  	s7 =	sld [smem:$0x3FA0]  }
0x1a: {  	s8 =	sadd.s32 $0xFFFFE003, lr  }
0x1b: {  	s9 =	sadd.s32 $0xFFFFFEF7, lr;
	s5 =	simm.s32 $0xFFFFFFFF;
	p2 =	slt.u32 s8, $0xFFFFF086  }
0x1c: {  	p1 =	slt.u32 s9, $0xF7A;
	s5 =	simm.s32 @!p2 $0x0  }
0x1d: {  	s5 =	simm.s32 @p1 $0x1;
	p0 =	seq.s32 s7, s2  }
0x1e: {  	s7 =	smul.u32 @!p0 $0xF7A, s2;
	p2 =	seq.s32 @!p0 s5, $0x0  }
0x1f: {  	s9 =	smul.u32 $0xF7A, s1;
	s8 =	simm.s32 @!p0 $0x1BF5;
	p2 =	por !p2, p0  }
0x20: {  	[sflag:s8] =	ssyncset.s32 @!p0 $0xFFFFF086;
	s6 =	sadd.s32 @!p0 s3, s7;
	s7 =	simm.s32 @!p0 $0x108  }
0x21: {  	s3 =	sadd.s32 s3, s9;
	s6 =	sadd.s32 @!p0 $0x88, s6;
	s7 =	simm.s32 @p2 $0x1082  }
0x22: {  	[simem:s7], [sflag:s8] =	dma.local @!p0 [hbm:s6], $0xF7A  }
0x23: {  	s9 =	sor.u32 $0xD0000000, s2;
	s6 =	simm.s32 $0x108;
	_ =	swait.ge @!p0 [sflag:s8], $0x0  }
0x24: {  	s3 =	sadd.s32 $0x88, s3;
	s6 =	simm.s32 @!p1 $0x1082;
	[sflag:s4] =	ssyncset.s32 $0xFFFFF086  }
0x25: {  	[simem:s6], [sflag:s4] =	dma.local [hbm:s3], $0xF7A  }
0x26: {  	[smem:$0x3FA0] =	sst s1;
	(tag) =	ssettag s2;
	_ =	strace s9  }
0x27: {  	s1 =	sld [smem:$0x3FB0]  }
0x28: {  	s2 =	sld [smem:$0x3FB1]  }
0x29: {  	s4 =	sld [smem:$0x3FB3]  }
0x2a: {  	p0 =	seq.s32 s5, $0x0;
	s5 =	sld [smem:$0x3FB4]  }
0x2b: {  	s6 =	sld [smem:$0x3FB5]  }
0x2c: {  	s7 =	sld [smem:$0x3FB6]  }
0x2d: {  	s3 =	simm.s32 $0x108;
	s8 =	sld [smem:$0x3FB7]  }
0x2e: {  	s3 =	simm.s32 @!p0 $0x1082;
	s9 =	sld [smem:$0x3FB8]  }
0x2f: {  	lr =	sadd.s32 s0, s3;
	s0 =	sld [smem:$0x3FAF]  }
0x30: {  	s3 =	sld [smem:$0x3FB2]  }
0x31: {  	[smem:$0x3FBB] =	sst s10  }
0x32: {  	s10 =	sld [smem:$0x3FB9];
	_ =	sdelay $0x3  }
0x33: {  	p0 =	seq.s32 s10, $0x1;
	s10 =	sld [smem:$0x3FBB];
	_ =	sdelay $0x3  }
0x34: {  	[smem:$0x3FBB] =	sst s10  }
0x35: {  	s10 =	sld [smem:$0x3FBA];
	_ =	sdelay $0x3  }
0x36: {  	p1 =	seq.s32 s10, $0x1;
	s10 =	sld [smem:$0x3FBB];
	_ =	sdelay $0x3  }
0x37: {  	[smem:$0x3FBB] =	sst s10  }
0x38: {  	s10 =	sld [smem:$0x3FBC]  }
0x39: {  	_ = 	snop;
	(pc) =	sbr.ind lr, $3  }
0x3a: {  	_ = 	snop  }
0x3b: {  	_ = 	snop  }
0x3c: {  	p2 =	seq.s32 s10, $0x1;
	s10 =	sld [smem:$0x3FBB]  }
0x3d: {  	_ =	shalt  }
0x3e: {  	_ =	shalt  }
0x3f: {  	_ =	shalt  }
0x40: {  	_ =	shalt  }
0x41: {  	_ =	shalt  }
0x42: {  	_ =	shalt  }
0x43: {  	_ =	shalt  }
0x44: {  	_ =	shalt  }
0x45: {  	_ =	shalt  }
0x46: {  	_ =	shalt  }
0x47: {  	_ =	shalt  }
0x48: {  	_ =	shalt  }
0x49: {  	_ =	shalt  }
0x4a: {  	_ =	shalt  }
0x4b: {  	_ =	shalt  }
0x4c: {  	_ =	shalt  }
0x4d: {  	_ =	shalt  }
0x4e: {  	_ =	shalt  }
0x4f: {  	_ =	shalt  }
0x50: {  	_ =	shalt  }
0x51: {  	_ =	shalt  }
0x52: {  	_ =	shalt  }
0x53: {  	_ =	shalt  }
0x54: {  	_ =	shalt  }
0x55: {  	_ =	shalt  }
0x56: {  	_ =	shalt  }
0x57: {  	_ =	shalt  }
0x58: {  	_ =	shalt  }
0x59: {  	_ =	shalt  }
0x5a: {  	_ =	shalt  }
0x5b: {  	_ =	shalt  }
0x5c: {  	_ =	shalt  }
0x5d: {  	_ =	shalt  }
0x5e: {  	_ =	shalt  }
0x5f: {  	_ =	shalt  }
0x60: {  	_ =	shalt  }
0x61: {  	_ =	shalt  }
0x62: {  	_ =	shalt  }
0x63: {  	_ =	shalt  }
0x64: {  	_ =	shalt  }
0x65: {  	_ =	shalt  }
0x66: {  	_ =	shalt  }
0x67: {  	_ =	shalt  }
0x68: {  	_ =	shalt  }
0x69: {  	_ =	shalt  }
0x6a: {  	_ =	shalt  }
0x6b: {  	_ =	shalt  }
0x6c: {  	_ =	shalt  }
0x6d: {  	_ =	shalt  }
0x6e: {  	_ =	shalt  }
0x6f: {  	_ =	shalt  }
0x70: {  	_ =	shalt  }
0x71: {  	_ =	shalt  }
0x72: {  	_ =	shalt  }
0x73: {  	_ =	shalt  }
0x74: {  	_ =	shalt  }
0x75: {  	_ =	shalt  }
0x76: {  	_ =	shalt  }
0x77: {  	_ =	shalt  }
0x78: {  	_ =	shalt  }
0x79: {  	_ =	shalt  }
0x7a: {  	_ =	shalt  }
0x7b: {  	_ =	shalt  }
0x7c: {  	_ =	shalt  }
0x7d: {  	_ =	shalt  }
0x7e: {  	_ =	shalt  }
0x7f: {  	_ =	shalt  }
0x80: {  	_ =	shalt  }
0x81: {  	_ =	shalt  }
0x82: {  	_ =	shalt  }
0x83: {  	_ =	shalt  }
0x84: {  	_ =	shalt  }
0x85: {  	_ =	shalt  }
0x86: {  	_ =	shalt  }
0x87: {  	_ =	shalt  }
.Lfunc_end0:
.L_simem_size_0:
called_computation_lowered:
.L_overlay_start_0:
0x88: {  	s2 =	sld [smem:$0x3FD9]  }
0x89: {  	s3 =	sld [smem:$0x3FFE];
	_ =	sdelay $0x1  }
0x8a: {  	s1 =	srdreg.scid  }
0x8b: {  	s0 =	sand.u32 $0x1, s1  }
0x8c: {  	s17 =	sshll.u32 s0, $0xA;
	s2 =	sadd.s32 s3, s2  }
0x8d: {  	s2 =	sadd.s32 s2, s17  }
0x8e: {  	[smem:$0x3FC7] =	sst s2  }
0x8f: {  	_ = 	snop  }
0x90: {  	s2 =	sld [smem:$0x3FD0];
	(tm) =	ssettm $0x1  }
0x91: {  	s18 =	sld [smem:$0x3FFB];
	_ =	sdelay $0x3  }
0x92: {  	_ =	strace s18  }
0x93: {  	s3 =	sld [smem:$0x3FFC];
	_ =	sdelay $0x3  }
0x94: {  	_ =	strace s3  }
0x95: {  	s3 =	sld [smem:$0x3FFD];
	_ =	sdelay $0x3  }
0x96: {  	_ =	strace s3  }
0x97: {  	_ =	strace $0x8FFFFFFF  }
0x98: {  	s19 =	sld [smem:$0x3FDB];
	_ =	sdelay $0x1  }
0x99: {  	s4 =	simm.s32 $_scs_section_size  }
0x9a: {  	s5 =	simm.s32 $_size__tile_overlayer_lowered;
	s6 =	simm.s32 $_tile_overlayer_lowered  }
0x9b: {  	s22 =	simm.s32 $0x1BFF;
	s21 =	sshll.u32 s6, $0x1;
	s3 =	sadd.s32 s4, s19  }
0x9c: {  	s7 =	simm.s32 $0x0;
	s20 =	sshll.u32 s5, $0x1;
	s5 =	sadd.s32 s21, s3  }
0x9d: {  	[timem:s7], [sflag:s22] =	dma.local [hbm:s5], s20  }
0x9e: {  	_ =	swait.ge [sflag:s22], s20  }
0x9f: {  	s4 =	ssub.s32 $0x0, s20;
	[sflag:s22] =	ssyncset.done $0x0  }
0xa0: {  	[sflag:s22] =	ssyncadd.s32 s4;
	_ =	sdelay $0x1  }
0xa1: {  	s23 =	simm.s32 $0x1B8B  }
0xa2: {  	_ =	swait.ge [sflag:s23], $0x1  }
0xa3: {  	[sflag:s23] =	ssyncset.done $0x0  }
0xa4: {  	s25 =	simm.s32 $0x1B8E;
	s24 =	sld [smem:$0x3FFE];
	[sflag:s23] =	ssyncadd.s32 $0xFFFFFFFF  }
0xa5: {  	s26 =	simm.s32 $execute0_lowered;
	[smem:$0x3FD2] =	sst s25  }
0xa6: {  	s5 =	sshll.u32 s26, $0x1;
	_ =	strace $0x80000046;
	[dreg:$0x1] =	wrdreg $0xFFFFFFFF  }
0xa7: {  	s28 =	simm.s32 $_size_execute0_lowered;
	s3 =	sadd.s32 s3, s5;
	[dreg:$0x0] =	wrdreg $0x0  }
0xa8: {  	s5 =	sshll.u32 s28, $0x1;
	[dreg:$0x2] =	wrdreg s3  }
0xa9: {  	[dreg:$0x3] =	wrdreg s5  }
0xaa: {  	[dreg:$0x4] =	wrdreg $0xC0  }
0xab: {  	_ =	task [dreg:s7], $0x5FFFF  }
0xac: {  	[dreg:$0x1] =	wrdreg $0xFFFFFFFF  }
0xad: {  	[dreg:$0x0] =	wrdreg $0x60  }
0xae: {  	[dreg:$0x2] =	wrdreg s24  }
0xaf: {  	[dreg:$0x3] =	wrdreg s2  }
0xb0: {  	[dreg:$0x4] =	wrdreg $0x9  }
0xb1: {  	_ =	task.clear_ibuf [dreg:s7], $0x5FFFF;
	_ =	strace $0x90000046  }
0xb2: {  	s29 =	simm.s32 $0x9;
	_ =	strace $0x80000048  }
0xb3: {  	_ =	swait.ge [sflag:s29], $0x1  }
0xb4: {  	[sflag:s29] =	ssyncadd.s32 $0xFFFFFFFF  }
0xb5: {  	_ =	strace $0x90000048  }
0xb6: {  	_ =	sfence  }
0xb7: {  	s30 =	sld [smem:$0x0];
	_ =	sdelay $0x2  }
0xb8: {  	s31 =	sshll.u32 s1, $0xD;
	s1 =	sshrl.u32 s1, $0x2  }
0xb9: {  	s3 =	sand.u32 $0x4000, s31;
	s1 =	sadd.s32 s1, s30  }
0xba: {  	s0 =	sor.u32 s3, s0;
	s1 =	sshll.u32 s1, $0x11  }
0xbb: {  	s0 =	sor.u32 s1, s0  }
0xbc: {  	s0 =	sadd.s32 $0x8F2B, s0  }
0xbd: {  	[sflag:s0] =	ssyncadd.remote.s32 $0x1  }
0xbe: {  	_ =	sfence.sel $0xFFFF  }
0xbf: {  	[dreg:$0x0] =	wrdreg $0xFFFFFFFF;
	(pc) =	sbr.abs _section_cstart, $3  }
0xc0: {  	[dreg:$0x1] =	wrdreg $0xFFFFFFFF  }
0xc1: {  	_ =	task.clear_ibuf [dreg:s7], $0x2FFFF;
	_ =	strace $0x9FFFFFFF  }
0xc2: {  	(tm) =	ssettm $0x7FFFFFFF  }
0xc3: {  	_ =	shalt  }
tec
execute0_lowered:
.L_overlay_start_1:
0x0: {  	(tag) =	ssettag $0x1  }
0x1: {  	s3 =	rddreg [dreg:$0x0];
	s1 =	srdreg.scid  }
0x2: {  	s0 =	stileid.u32;
	s4 =	rddreg [dreg:$0x1];
	s9 =	simm.s32 $0x400  }
0x3: {  	s5 =	sand.u32 $0x1, s1;
	s2 =	sshll.u32 s0, $0x1;
	s8 =	sshrl.u32 s0, $0x2  }
0x4: {  	s1 =	rddreg [dreg:$0x2];
	s6 =	sor.u32 s5, s2;
	s8 =	smul.u32 $0x14000, s8  }
0x5: {  	s2 =	simm.s32 $0x0;
	s5 =	ssub.s32 $0x2, s5;
	s7 =	smul.u32 $0xA00, s6  }
0x6: {  	[smem:$0x7FF] =	sst s2;
	s6 =	sshll.u32 s6, $0x7;
	s31 =	sshrl.u32 s5, $0x1  }
0x7: {  	_ =	strace $0x80000047;
	s6 =	sand.u32 $0x380, s6;
	s5 =	ssub.s32 s5, s31  }
0x8: {  	s3 =	sadd.s32 s7, s3;
	s6 =	sor.u32 s8, s6;
	s5 =	smax.u32 s5, $0x1  }
0x9: {  	s7 =	simm.s32 $0x5000;
	s8 =	simm.s32 $0x80;
	s6 =	sshrl.u32 s6, $0x3  }
0xa: {  	v0 =	vimm.f32 $0.0e+00;
	v1 =	vimm.f32 $1.000000000e+00;
	s3 =	sadd.s32 $0x400, s3;
	s4 =	sadd.s32 s4, s6;
	s6 =	simm.s32 $0x1  }
.LBB2_1:
0xb: {  	s10 =	simm.s32 $0x40;
	s11 =	simm.s32 $0x0  }
.LBB2_2:
0xc: {  	p0 =	sne.s32 s10, $0x9FC0;
	[tilespmem:s11+$0x5000] =	vst v0;
	s11 =	smov.u32 s10;
	s10 =	sadd.s32 $0x40, s10  }
.Ltmp0:
0xd: {  	(pc) =	sbr.rel @p0 .LBB2_2-.Ltmp0, $2  }
0xe: {  	_ =	sdelay $0x2  }
0xf: {  	s11 =	sshra.s32 s11, $0x2  }
0x10: {  	[tilespmem:s11+$0x5000] =	vst v0;
	s10 =	simm.s32 $0x0  }
0x11: {  	[tilespmem:s10], [sflag:$0x1] =	stream.linear.gather [hbm4b:s3+s10], $0x5000, $0x38;
	[tilespmem:$0x7800] =	vst v63  }
0x12: {  	_ =	swait.ge [sflag:s6], $0x5000  }
0x13: {  	[sflag:s6] =	ssyncset.done $0x0  }
0x14: {  	[sflag:s6] =	ssyncadd.s32 $0xFFFFB000  }
.LBB2_4:
0x15: {  	s11 =	sshra.s32 s10, $0x2  }
0x16: {  	v2 =	vld [tilespmem:s11+$0x0];
	_ =	sdelay $0x7  }
0x17: {  	[tilespmem:v2+s7+$0x0] =	vst.idx.add.f32.msk $0xffff, v1  }
0x18: {  	v2 =	vld [tilespmem:s11+$0x10];
	_ =	sdelay $0x7  }
0x19: {  	[tilespmem:v2+s7+$0x0] =	vst.idx.add.f32.msk $0xffff, v1  }
0x1a: {  	v2 =	vld [tilespmem:s11+$0x20];
	_ =	sdelay $0x7  }
0x1b: {  	[tilespmem:v2+s7+$0x0] =	vst.idx.add.f32.msk $0xffff, v1  }
0x1c: {  	v2 =	vld [tilespmem:s11+$0x30];
	_ =	sdelay $0x2  }
0x1d: {  	p0 =	sne.s32 s10, $0x13E00  }
.Ltmp1:
0x1e: {  	_ = 	snop;
	(pc) =	sbr.rel @p0 .LBB2_4-.Ltmp1, $2  }
0x1f: {  	_ =	sdelay $0x2  }
0x20: {  	s10 =	sadd.s32 $0x200, s10;
	[tilespmem:v2+s7+$0x0] =	vst.idx.add.f32.msk $0xffff, v1  }
0x21: {  	s2 =	sadd.s32 $0x1, s2  }
0x22: {  	p0 =	sne.s32 s2, s5  }
.Ltmp2:
0x23: {  	_ = 	snop;
	(pc) =	sbr.rel @p0 .LBB2_1-.Ltmp2, $4  }
0x24: {  	[hbm4b:s4+s8] =	stream.strided.scatter [tilespmem:s7], [sflag:$0x1], $0x2800, s9, s8, $0x38;
	[tilespmem:$0x7800] =	vst v63  }
0x25: {  	_ =	swait.ge [sflag:s6], $0x2800  }
0x26: {  	[sflag:s6] =	ssyncset.done $0x0  }
0x27: {  	[sflag:s6] =	ssyncadd.s32 $0xFFFFD800  }
0x28: {  	_ =	sfence.sel $0x180000  }
0x29: {  	[bflag:$0x0] =	sbarrier.arrive $0xFFFF  }
0x2a: {  	p0 =	sne.s32 s0, $0x0;
	_ =	strace $0x90000047  }
0x2b: {  	s0 =	sadd.s32 @!p0 $0x100000, s1;
	[bflag:$0x2] =	sbarrier.arrive $0xFFFF  }
0x2c: {  	[sflag:s0] =	ssyncadd.tile.s32 @!p0 $0x1;
	_ =	shalt  }
.Lfunc_end2:
_tile_overlayer_lowered:
.L_overlay_start_2:
0x2d: {  	(tag) =	ssettag $0x2  }
0x2e: {  	s0 =	rddreg [dreg:$0x0];
	s2 =	stileid.u32  }
0x2f: {  	s1 =	rddreg [dreg:$0x1];
	p0 =	sne.s32 s2, $0x0  }
0x30: {  	s3 =	rddreg [dreg:$0x2];
	[bflag:$0x3] =	sbarrier.arrive $0xFFFF;
	s2 =	simm.s32 @!p0 $0x1C01  }
0x31: {  	[timem:s3], [sflag:s2] =	dma.local @!p0 [hbm:s0], s1  }
0x32: {  	s0 =	simm.s32 @!p0 $0x1  }
0x33: {  	_ =	swait.ge @!p0 [sflag:s0], s1  }
0x34: {  	s1 =	ssub.s32 @!p0 $0x0, s1;
	[sflag:s0] =	ssyncset.done @!p0 $0x0  }
0x35: {  	[sflag:s0] =	ssyncadd.s32 @!p0 s1  }
0x36: {  	[bflag:$0x3] =	sbarrier.arrive $0xFFFF  }
0x37: {  	_ =	shalt  }

</sc_bundles>
